<compile_context>
chip_gen: v7x
topology: tpu7x:2x2x1
jax: 0.10.2.dev20260603
libtpu: 0.0.44.dev20260713+nightly
codegen_flags: <defaults>
</compile_context>

<pallas_src>
import jax
import jax.numpy as jnp
from jax import lax
from jax.experimental import pallas as pl
from jax.experimental.pallas import tpu as pltpu
from jax.experimental.pallas import tpu_sc as plsc

_BASE_MARGIN = 0.5
_POS_THR = 0.7
_NEG_THR = 0.2
_B = 256
_BIG = 1e30
_VALID = 1e29

_NC, _NS, _L = 2, 16, 16
_NW = _NC * _NS
_ROWS_PER_W = _B // _NW
_NVREG = _B // _L


def _prep_body(e1_ref, e2t_ref, ov_ref, zp_ref, zn_ref, cnt_ref):
    e1 = e1_ref[...]
    e2t = e2t_ref[...]
    ov = ov_ref[...]

    n1 = jnp.sqrt(jnp.sum(e1 * e1, axis=1, keepdims=True))
    e1n = e1 / jnp.maximum(n1, 1e-12)
    n2 = jnp.sqrt(jnp.sum(e2t * e2t, axis=0, keepdims=True))
    e2nt = e2t / jnp.maximum(n2, 1e-12)

    s1 = jnp.sum(e1n * e1n, axis=1, keepdims=True)
    s2 = jnp.sum(e2nt * e2nt, axis=0, keepdims=True)
    g = jnp.dot(e1n, e2nt, preferred_element_type=jnp.float32)
    d = jnp.sqrt(jnp.maximum(s1 + s2 - 2.0 * g, 1e-12))

    z = d + _BASE_MARGIN * ov
    pos = ov > _POS_THR
    neg = ov <= _NEG_THR
    zp_ref[...] = jnp.where(pos, z, -_BIG)
    zn_ref[...] = jnp.where(neg, z, _BIG)

    cp = jnp.sum(pos.astype(jnp.float32), axis=1, keepdims=True)
    cn = jnp.sum(neg.astype(jnp.float32), axis=1, keepdims=True)
    cnt_ref[0, 0] = jnp.sum(cp * cn)


_TRASH = 264


def _sc_body(zp_hbm, zn_hbm, part_hbm, zp_v, zn_v, pbuf, nbuf, part_v):
    wid = lax.axis_index("s") * _NC + lax.axis_index("c")
    base = wid * (_ROWS_PER_W * _B)
    pltpu.sync_copy(zp_hbm.at[pl.ds(base, _ROWS_PER_W * _B)], zp_v)
    pltpu.sync_copy(zn_hbm.at[pl.ds(base, _ROWS_PER_W * _B)], zn_v)

    def anchor_body(a, acc):
        abase = a * _B

        def ploop(k, accs):
            vx = zp_v[pl.ds(abase + 2 * k, _L)]
            x1v = jnp.broadcast_to(vx[0], (_L,))
            x2v = jnp.broadcast_to(vx[1], (_L,))
            zero = jnp.zeros((_L,), jnp.float32)

            def nloop(j, accs):
                a1, a2 = accs
                vn = zn_v[pl.ds(abase + j * _L, _L)]
                a1 = a1 + jnp.maximum(x1v - vn, zero)
                a2 = a2 + jnp.maximum(x2v - vn, zero)
                return (a1, a2)

            return lax.fori_loop(0, _NVREG, nloop, accs)

        a1, a2 = lax.fori_loop(0, _B // 2, ploop,
                               (acc, jnp.zeros((_L,), jnp.float32)))
        return a1 + a2

    acc = lax.fori_loop(0, _ROWS_PER_W, anchor_body,
                        jnp.zeros((_L,), jnp.float32))
    part_v[...] = acc
    pltpu.sync_copy(part_v, part_hbm.at[pl.ds(wid * _L, _L)])


def _finalize_body(part_ref, cnt_ref, out_ref):
    total = jnp.sum(part_ref[...])
    count = cnt_ref[0, 0]
    out_ref[0, 0] = jnp.where(count == 0.0, jnp.float32(0.0),
                              total / jnp.maximum(count, 1.0))


def kernel(embeddings1, embeddings2, overlap_ratio):
    zp, zn, cnt = pl.pallas_call(
        _prep_body,
        out_shape=(
            jax.ShapeDtypeStruct((_B, _B), jnp.float32),
            jax.ShapeDtypeStruct((_B, _B), jnp.float32),
            jax.ShapeDtypeStruct((1, 1), jnp.float32),
        ),
        out_specs=(
            pl.BlockSpec(memory_space=pltpu.VMEM),
            pl.BlockSpec(memory_space=pltpu.VMEM),
            pl.BlockSpec(memory_space=pltpu.SMEM),
        ),
        in_specs=[
            pl.BlockSpec(memory_space=pltpu.VMEM),
            pl.BlockSpec(memory_space=pltpu.VMEM),
            pl.BlockSpec(memory_space=pltpu.VMEM),
        ],
    )(embeddings1, embeddings2.T, overlap_ratio)

    zp1 = zp.reshape(-1)
    zn1 = zn.reshape(-1)

    sc_fn = pl.kernel(
        _sc_body,
        out_type=jax.ShapeDtypeStruct((_NW * _L,), jnp.float32),
        mesh=plsc.VectorSubcoreMesh(core_axis_name="c", subcore_axis_name="s",
                                    num_cores=_NC, num_subcores=_NS),
        scratch_types=[
            pltpu.VMEM((_ROWS_PER_W * _B,), jnp.float32),
            pltpu.VMEM((_ROWS_PER_W * _B,), jnp.float32),
            pltpu.VMEM((_B + _L,), jnp.float32),
            pltpu.VMEM((_B + _L,), jnp.float32),
            pltpu.VMEM((_L,), jnp.float32),
        ],
    )
    parts = sc_fn(zp1, zn1)

    out = pl.pallas_call(
        _finalize_body,
        out_shape=jax.ShapeDtypeStruct((1, 1), jnp.float32),
        in_specs=[
            pl.BlockSpec(memory_space=pltpu.VMEM),
            pl.BlockSpec(memory_space=pltpu.SMEM),
        ],
        out_specs=pl.BlockSpec(memory_space=pltpu.SMEM),
    )(parts.reshape(_NW, _L), cnt)
    return jnp.reshape(out, ())

# --- scband reference (transcript-rebuilt; emitter-appended) ---
"""Pipeline reference for scband-triplet-loss-v2-38800734552508 (READ-ONLY COPY).

The authoritative reference and input builder live on the scoring server;
editing this copy changes nothing except your own understanding.
"""

import jax, jax.numpy as jnp
import numpy as np

BASE_MARGIN = 0.5
POS_THR = 0.7
NEG_THR = 0.2


def _normalize(x):
    n = jnp.sqrt(jnp.sum(x * x, axis=1, keepdims=True))
    return x / jnp.maximum(n, 1e-12)


def _cdist(a, b):
    d2 = jnp.sum(a * a, axis=1)[:, None] + jnp.sum(b * b, axis=1)[None, :] - 2.0 * (a @ b.T)
    return jnp.sqrt(jnp.clip(d2, 1e-12, None))


def setup_inputs(seed: int = 0) -> dict:
    key = jax.random.key(seed)
    k1, k2, k3 = jax.random.split(key, 3)
    B, D = 256, 256
    return {
        "embeddings1": jax.random.normal(k1, (B, D), dtype=jnp.float32),
        "embeddings2": jax.random.normal(k2, (B, D), dtype=jnp.float32),
        "overlap_ratio": jax.random.uniform(k3, (B, B), dtype=jnp.float32),
    }


def reference(embeddings1, embeddings2, overlap_ratio):
    # normalize_embeddings = True
    e1 = _normalize(embeddings1)
    e2 = _normalize(embeddings2)
    distance = _cdist(e1, e2)
    # tuple_formtype == 'absolute_threshold'
    positives_mask = overlap_ratio > POS_THR
    negatives_mask = overlap_ratio <= NEG_THR
    triplet_mask = positives_mask[:, :, None] & negatives_mask[:, None, :]
    pos_or = overlap_ratio[:, :, None]
    neg_or = overlap_ratio[:, None, :]
    margins = BASE_MARGIN * (pos_or - neg_or)
    loss = jax.nn.relu(distance[:, :, None] - distance[:, None, :] + margins)
    mask_f = triplet_mask.astype(jnp.float32)
    count = jnp.sum(mask_f)
    total = jnp.sum(loss * mask_f)
    # choose_nonzero = False -> plain mean
    return jnp.where(count == 0, jnp.asarray(0.0, dtype=jnp.float32),
                     total / jnp.maximum(count, 1.0))

if __name__ == "__main__":
    import jax
    _d = setup_inputs()
    print(jax.jit(kernel)(*tuple(_d.values())))

</pallas_src>

<mosaic_0001>
#map = affine_map<(d0, d1) -> (0)>
module attributes {stable_mosaic.version = 14 : i64} {
  func.func @_sc_body(%arg0: i32, %arg1: i32, %arg2: memref<65536xf32, #tpu.memory_space<hbm>>, %arg3: memref<65536xf32, #tpu.memory_space<hbm>>, %arg4: memref<512xf32, #tpu.memory_space<hbm>>, %arg5: memref<2048xf32, #tpu.memory_space<vmem>>, %arg6: memref<2048xf32, #tpu.memory_space<vmem>>, %arg7: memref<272xf32, #tpu.memory_space<vmem>>, %arg8: memref<272xf32, #tpu.memory_space<vmem>>, %arg9: memref<16xf32, #tpu.memory_space<vmem>>) attributes {dimension_semantics = [#tpu.dimension_semantics<core_parallel>, #tpu.dimension_semantics<subcore_parallel>], iteration_bounds = array<i64: 2, 16>, scalar_prefetch = 0 : i64, scratch_operands = 5 : i64, tpu.core_type = #tpu.core_type<sc_vector_subcore>, window_params = [{transform_indices = #map}, {transform_indices = #map}, {transform_indices = #map}]} {
    %mul3A = arith.constant 2 : i32
    %mul3A_0 = arith.muli %arg1, %mul3A : i32
    %add3A = arith.addi %mul3A_0, %arg0 : i32
    %mul3A_1 = arith.constant 2048 : i32
    %mul3A_2 = arith.muli %add3A, %mul3A_1 : i32
    "tpu.region"() ({
      %run_scoped3A = tpu.sem_alloc : memref<!tpu.dma_semaphore, #tpu.memory_space<semaphore_mem>>
      %dma_start3A = tpu.memref_slice %arg2[%mul3A_2] : memref<65536xf32, #tpu.memory_space<hbm>> -> memref<2048xf32, #tpu.memory_space<hbm>>
      %dma_start3A_14 = tpu.memref_slice %arg2[%mul3A_2] : memref<65536xf32, #tpu.memory_space<hbm>> -> memref<2048xf32, #tpu.memory_space<hbm>>
      tpu.enqueue_dma source(%dma_start3A_14 : memref<2048xf32, #tpu.memory_space<hbm>>) target(%arg5 : memref<2048xf32, #tpu.memory_space<vmem>>) target_semaphore(%run_scoped3A : memref<!tpu.dma_semaphore, #tpu.memory_space<semaphore_mem>>)
      %dma_wait3A = tpu.memref_slice %arg2[%mul3A_2] : memref<65536xf32, #tpu.memory_space<hbm>> -> memref<2048xf32, #tpu.memory_space<hbm>>
      %dma_wait3A_15 = tpu.memref_slice %arg2[%mul3A_2] : memref<65536xf32, #tpu.memory_space<hbm>> -> memref<2048xf32, #tpu.memory_space<hbm>>
      tpu.wait_dma2 semaphore(%run_scoped3A : memref<!tpu.dma_semaphore, #tpu.memory_space<semaphore_mem>>) src(%dma_wait3A_15 : memref<2048xf32, #tpu.memory_space<hbm>>) dst(%arg5 : memref<2048xf32, #tpu.memory_space<vmem>>)
      tpu.yield
    }) : () -> ()
    "tpu.region"() ({
      %run_scoped3A = tpu.sem_alloc : memref<!tpu.dma_semaphore, #tpu.memory_space<semaphore_mem>>
      %dma_start3A = tpu.memref_slice %arg3[%mul3A_2] : memref<65536xf32, #tpu.memory_space<hbm>> -> memref<2048xf32, #tpu.memory_space<hbm>>
      %dma_start3A_14 = tpu.memref_slice %arg3[%mul3A_2] : memref<65536xf32, #tpu.memory_space<hbm>> -> memref<2048xf32, #tpu.memory_space<hbm>>
      tpu.enqueue_dma source(%dma_start3A_14 : memref<2048xf32, #tpu.memory_space<hbm>>) target(%arg6 : memref<2048xf32, #tpu.memory_space<vmem>>) target_semaphore(%run_scoped3A : memref<!tpu.dma_semaphore, #tpu.memory_space<semaphore_mem>>)
      %dma_wait3A = tpu.memref_slice %arg3[%mul3A_2] : memref<65536xf32, #tpu.memory_space<hbm>> -> memref<2048xf32, #tpu.memory_space<hbm>>
      %dma_wait3A_15 = tpu.memref_slice %arg3[%mul3A_2] : memref<65536xf32, #tpu.memory_space<hbm>> -> memref<2048xf32, #tpu.memory_space<hbm>>
      tpu.wait_dma2 semaphore(%run_scoped3A : memref<!tpu.dma_semaphore, #tpu.memory_space<semaphore_mem>>) src(%dma_wait3A_15 : memref<2048xf32, #tpu.memory_space<hbm>>) dst(%arg6 : memref<2048xf32, #tpu.memory_space<vmem>>)
      tpu.yield
    }) : () -> ()
    %broadcast_in_dim3A = arith.constant 0.000000e+00 : f32
    %broadcast_in_dim3A_3 = vector.broadcast %broadcast_in_dim3A : f32 to vector<16xf32>
    %scan3A = arith.constant 0 : i32
    %scan3A_4 = arith.constant 8 : i32
    %scan3A_5 = arith.addi %scan3A, %scan3A_4 : i32
    %scan3A_6 = arith.constant 1 : i32
    %scan3A_7 = scf.for %scan3A_14 = %scan3A to %scan3A_5 step %scan3A_6 iter_args(%scan3A_15 = %broadcast_in_dim3A_3) -> (vector<16xf32>)  : i32 {
      %mul3A_16 = arith.constant 256 : i32
      %mul3A_17 = arith.muli %scan3A_14, %mul3A_16 : i32
      %broadcast_in_dim3A_18 = arith.constant 0.000000e+00 : f32
      %broadcast_in_dim3A_19 = vector.broadcast %broadcast_in_dim3A_18 : f32 to vector<16xf32>
      %scan3A_20 = arith.constant 0 : i32
      %scan3A_21 = arith.constant 128 : i32
      %scan3A_22 = arith.addi %scan3A_20, %scan3A_21 : i32
      %scan3A_23 = arith.constant 1 : i32
      %scan3A_24:2 = scf.for %scan3A_27 = %scan3A_20 to %scan3A_22 step %scan3A_23 iter_args(%scan3A_28 = %scan3A_15, %scan3A_29 = %broadcast_in_dim3A_19) -> (vector<16xf32>, vector<16xf32>)  : i32 {
        %mul3A_30 = arith.constant 2 : i32
        %mul3A_31 = arith.muli %mul3A_30, %scan3A_27 : i32
        %add3A_32 = arith.addi %mul3A_17, %mul3A_31 : i32
        %get3A = arith.index_cast %add3A_32 : i32 to index
        %get3A_33 = tpu.vector_load %arg5[%get3A] {strides = array<i32>} : memref<2048xf32, #tpu.memory_space<vmem>>, vector<16xf32>,
        %get3A_34 = vector.shape_cast %get3A_33 : vector<16xf32> to vector<16xf32>
        %slice3A = vector.extract_strided_slice %get3A_34 {offsets = [0], sizes = [1], strides = [1]} : vector<16xf32> to vector<1xf32>
        %squeeze3A = vector.extract %slice3A[0] : f32 from vector<1xf32>
        %broadcast_in_dim3A_35 = vector.broadcast %squeeze3A : f32 to vector<16xf32>
        %slice3A_36 = vector.extract_strided_slice %get3A_34 {offsets = [1], sizes = [1], strides = [1]} : vector<16xf32> to vector<1xf32>
        %squeeze3A_37 = vector.extract %slice3A_36[0] : f32 from vector<1xf32>
        %broadcast_in_dim3A_38 = vector.broadcast %squeeze3A_37 : f32 to vector<16xf32>
        %broadcast_in_dim3A_39 = arith.constant 0.000000e+00 : f32
        %broadcast_in_dim3A_40 = vector.broadcast %broadcast_in_dim3A_39 : f32 to vector<16xf32>
        %scan3A_41 = arith.constant 0 : i32
        %scan3A_42 = arith.constant 16 : i32
        %scan3A_43 = arith.addi %scan3A_41, %scan3A_42 : i32
        %scan3A_44 = arith.constant 1 : i32
        %scan3A_45:2 = scf.for %scan3A_47 = %scan3A_41 to %scan3A_43 step %scan3A_44 iter_args(%scan3A_48 = %scan3A_28, %scan3A_49 = %scan3A_29) -> (vector<16xf32>, vector<16xf32>)  : i32 {
          %mul3A_50 = arith.constant 16 : i32
          %mul3A_51 = arith.muli %scan3A_47, %mul3A_50 : i32
          %add3A_52 = arith.addi %mul3A_17, %mul3A_51 : i32
          %get3A_53 = arith.index_cast %add3A_52 : i32 to index
          %get3A_54 = tpu.vector_load %arg6[%get3A_53] {strides = array<i32>} : memref<2048xf32, #tpu.memory_space<vmem>>, vector<16xf32>,
          %get3A_55 = vector.shape_cast %get3A_54 : vector<16xf32> to vector<16xf32>
          %sub3A = arith.subf %broadcast_in_dim3A_35, %get3A_55 : vector<16xf32>
          %max3A = arith.maximumf %sub3A, %broadcast_in_dim3A_40 : vector<16xf32>
          %add3A_56 = arith.addf %scan3A_48, %max3A : vector<16xf32>
          %sub3A_57 = arith.subf %broadcast_in_dim3A_38, %get3A_55 : vector<16xf32>
          %max3A_58 = arith.maximumf %sub3A_57, %broadcast_in_dim3A_40 : vector<16xf32>
          %add3A_59 = arith.addf %scan3A_49, %max3A_58 : vector<16xf32>
          scf.yield %add3A_56, %add3A_59 : vector<16xf32>, vector<16xf32>
        }
        %scan3A_46 = arith.constant 16 : i32
        scf.yield %scan3A_45#0, %scan3A_45#1 : vector<16xf32>, vector<16xf32>
      }
      %scan3A_25 = arith.constant 128 : i32
      %add3A_26 = arith.addf %scan3A_24#0, %scan3A_24#1 : vector<16xf32>
      scf.yield %add3A_26 : vector<16xf32>
    }
    %scan3A_8 = arith.constant 8 : i32
    %swap3A = arith.constant 0 : index
    %swap3A_9 = tpu.vector_load %arg9[%swap3A] {strides = array<i32>} : memref<16xf32, #tpu.memory_space<vmem>>, vector<16xf32>,
    %swap3A_10 = vector.shape_cast %swap3A_9 : vector<16xf32> to vector<16xf32>
    %swap3A_11 = vector.shape_cast %scan3A_7 : vector<16xf32> to vector<16xf32>
    tpu.vector_store %arg9[%swap3A], %swap3A_11 {strides = array<i32>} : memref<16xf32, #tpu.memory_space<vmem>>, vector<16xf32>,
    %mul3A_12 = arith.constant 16 : i32
    %mul3A_13 = arith.muli %add3A, %mul3A_12 : i32
    "tpu.region"() ({
      %run_scoped3A = tpu.sem_alloc : memref<!tpu.dma_semaphore, #tpu.memory_space<semaphore_mem>>
      %dma_start3A = tpu.memref_slice %arg4[%mul3A_13] : memref<512xf32, #tpu.memory_space<hbm>> -> memref<16xf32, #tpu.memory_space<hbm>>
      %dma_start3A_14 = tpu.memref_slice %arg4[%mul3A_13] : memref<512xf32, #tpu.memory_space<hbm>> -> memref<16xf32, #tpu.memory_space<hbm>>
      tpu.enqueue_dma source(%arg9 : memref<16xf32, #tpu.memory_space<vmem>>) target(%dma_start3A_14 : memref<16xf32, #tpu.memory_space<hbm>>) target_semaphore(%run_scoped3A : memref<!tpu.dma_semaphore, #tpu.memory_space<semaphore_mem>>)
      %dma_wait3A = tpu.memref_slice %arg4[%mul3A_13] : memref<512xf32, #tpu.memory_space<hbm>> -> memref<16xf32, #tpu.memory_space<hbm>>
      %dma_wait3A_15 = tpu.memref_slice %arg4[%mul3A_13] : memref<512xf32, #tpu.memory_space<hbm>> -> memref<16xf32, #tpu.memory_space<hbm>>
      tpu.wait_dma2 semaphore(%run_scoped3A : memref<!tpu.dma_semaphore, #tpu.memory_space<semaphore_mem>>) src(%arg9 : memref<16xf32, #tpu.memory_space<vmem>>) dst(%dma_wait3A_15 : memref<16xf32, #tpu.memory_space<hbm>>)
      tpu.yield
    }) : () -> ()
    return
  }
}

module attributes {stable_mosaic.version = 14 : i64} {
  func.func @_prep_body(%arg0: memref<256x256xf32, #tpu.memory_space<vmem>>, %arg1: memref<256x256xf32, #tpu.memory_space<vmem>>, %arg2: memref<256x256xf32, #tpu.memory_space<vmem>>, %arg3: memref<256x256xf32, #tpu.memory_space<vmem>>, %arg4: memref<256x256xf32, #tpu.memory_space<vmem>>, %arg5: memref<1x1xf32, #tpu.memory_space<smem>>) attributes {dimension_semantics = [], scalar_prefetch = 0 : i64, scratch_operands = 0 : i64, tpu.core_type = #tpu.core_type<tc>} {
    %get3A = arith.constant 0 : index
    %get3A_0 = arith.constant 0 : index
    %get3A_1 = vector.load %arg0[%get3A, %get3A_0] : memref<256x256xf32, #tpu.memory_space<vmem>>, vector<256x256xf32>
    %get3A_2 = arith.constant 0 : index
    %get3A_3 = arith.constant 0 : index
    %get3A_4 = vector.load %arg1[%get3A_2, %get3A_3] : memref<256x256xf32, #tpu.memory_space<vmem>>, vector<256x256xf32>
    %get3A_5 = arith.constant 0 : index
    %get3A_6 = arith.constant 0 : index
    %get3A_7 = vector.load %arg2[%get3A_5, %get3A_6] : memref<256x256xf32, #tpu.memory_space<vmem>>, vector<256x256xf32>
    %mul3A = arith.mulf %get3A_1, %get3A_1 : vector<256x256xf32>
    %reduce_sum3A = arith.constant dense<0.000000e+00> : vector<256xf32>
    %reduce_sum3A_8 = vector.multi_reduction <add>, %mul3A, %reduce_sum3A [1] : vector<256x256xf32> to vector<256xf32>
    %broadcast_in_dim3A = vector.shape_cast %reduce_sum3A_8 : vector<256xf32> to vector<256x1xf32>
    %sqrt3A = math.sqrt %broadcast_in_dim3A : vector<256x1xf32>
    %max3A = arith.constant 9.99999996E-13 : f32
    %max3A_9 = vector.broadcast %max3A : f32 to vector<256x1xf32>
    %max3A_10 = arith.maximumf %sqrt3A, %max3A_9 : vector<256x1xf32>
    %div3A = vector.broadcast %max3A_10 : vector<256x1xf32> to vector<256x256xf32>
    %div3A_11 = arith.divf %get3A_1, %div3A : vector<256x256xf32>
    %mul3A_12 = arith.mulf %get3A_4, %get3A_4 : vector<256x256xf32>
    %reduce_sum3A_13 = arith.constant dense<0.000000e+00> : vector<256xf32>
    %reduce_sum3A_14 = vector.multi_reduction <add>, %mul3A_12, %reduce_sum3A_13 [0] : vector<256x256xf32> to vector<256xf32>
    %broadcast_in_dim3A_15 = vector.shape_cast %reduce_sum3A_14 : vector<256xf32> to vector<1x256xf32>
    %sqrt3A_16 = math.sqrt %broadcast_in_dim3A_15 : vector<1x256xf32>
    %max3A_17 = arith.constant 9.99999996E-13 : f32
    %max3A_18 = vector.broadcast %max3A_17 : f32 to vector<1x256xf32>
    %max3A_19 = arith.maximumf %sqrt3A_16, %max3A_18 : vector<1x256xf32>
    %div3A_20 = vector.broadcast %max3A_19 : vector<1x256xf32> to vector<256x256xf32>
    %div3A_21 = arith.divf %get3A_4, %div3A_20 : vector<256x256xf32>
    %mul3A_22 = arith.mulf %div3A_11, %div3A_11 : vector<256x256xf32>
    %reduce_sum3A_23 = arith.constant dense<0.000000e+00> : vector<256xf32>
    %reduce_sum3A_24 = vector.multi_reduction <add>, %mul3A_22, %reduce_sum3A_23 [1] : vector<256x256xf32> to vector<256xf32>
    %broadcast_in_dim3A_25 = vector.shape_cast %reduce_sum3A_24 : vector<256xf32> to vector<256x1xf32>
    %mul3A_26 = arith.mulf %div3A_21, %div3A_21 : vector<256x256xf32>
    %reduce_sum3A_27 = arith.constant dense<0.000000e+00> : vector<256xf32>
    %reduce_sum3A_28 = vector.multi_reduction <add>, %mul3A_26, %reduce_sum3A_27 [0] : vector<256x256xf32> to vector<256xf32>
    %broadcast_in_dim3A_29 = vector.shape_cast %reduce_sum3A_28 : vector<256xf32> to vector<1x256xf32>
    %dot_general3A = arith.constant dense<0.000000e+00> : vector<256x256xf32>
    %dot_general3A_30 = tpu.matmul %div3A_11, %div3A_21, %dot_general3A {dimension_numbers = #tpu.dot_dimension_numbers<[1], [0], [0], [1], [0, 0, 1, 1], [], []>, transpose_lhs_hint = false} : vector<256x256xf32>, vector<256x256xf32>, vector<256x256xf32> -> vector<256x256xf32>
    %add3A = vector.broadcast %broadcast_in_dim3A_25 : vector<256x1xf32> to vector<256x256xf32>
    %add3A_31 = vector.broadcast %broadcast_in_dim3A_29 : vector<1x256xf32> to vector<256x256xf32>
    %add3A_32 = arith.addf %add3A, %add3A_31 : vector<256x256xf32>
    %mul3A_33 = arith.constant 2.000000e+00 : f32
    %mul3A_34 = vector.broadcast %mul3A_33 : f32 to vector<256x256xf32>
    %mul3A_35 = arith.mulf %mul3A_34, %dot_general3A_30 : vector<256x256xf32>
    %sub3A = arith.subf %add3A_32, %mul3A_35 : vector<256x256xf32>
    %max3A_36 = arith.constant 9.99999996E-13 : f32
    %max3A_37 = vector.broadcast %max3A_36 : f32 to vector<256x256xf32>
    %max3A_38 = arith.maximumf %sub3A, %max3A_37 : vector<256x256xf32>
    %sqrt3A_39 = math.sqrt %max3A_38 : vector<256x256xf32>
    %mul3A_40 = arith.constant 5.000000e-01 : f32
    %mul3A_41 = vector.broadcast %mul3A_40 : f32 to vector<256x256xf32>
    %mul3A_42 = arith.mulf %mul3A_41, %get3A_7 : vector<256x256xf32>
    %add3A_43 = arith.addf %sqrt3A_39, %mul3A_42 : vector<256x256xf32>
    %gt3A = arith.constant 0.699999988 : f32
    %gt3A_44 = vector.broadcast %gt3A : f32 to vector<256x256xf32>
    %gt3A_45 = arith.cmpf ogt, %get3A_7, %gt3A_44 : vector<256x256xf32>
    %le3A = arith.constant 2.000000e-01 : f32
    %le3A_46 = vector.broadcast %le3A : f32 to vector<256x256xf32>
    %le3A_47 = arith.cmpf ole, %get3A_7, %le3A_46 : vector<256x256xf32>
    %jit3A = arith.constant -1.000000e+30 : f32
    %broadcast_in_dim3A_48 = vector.broadcast %jit3A : f32 to vector<256x256xf32>
    %select_n3A = arith.select %gt3A_45, %add3A_43, %broadcast_in_dim3A_48 : vector<256x256xi1>, vector<256x256xf32>
    %swap3A = arith.constant 0 : index
    %swap3A_49 = arith.constant 0 : index
    %swap3A_50 = vector.load %arg3[%swap3A, %swap3A_49] : memref<256x256xf32, #tpu.memory_space<vmem>>, vector<256x256xf32>
    tpu.vector_store %arg3[%swap3A, %swap3A_49], %select_n3A {strides = array<i32>} : memref<256x256xf32, #tpu.memory_space<vmem>>, vector<256x256xf32>,
    %jit3A_51 = arith.constant 1.000000e+30 : f32
    %broadcast_in_dim3A_52 = vector.broadcast %jit3A_51 : f32 to vector<256x256xf32>
    %select_n3A_53 = arith.select %le3A_47, %add3A_43, %broadcast_in_dim3A_52 : vector<256x256xi1>, vector<256x256xf32>
    %swap3A_54 = arith.constant 0 : index
    %swap3A_55 = arith.constant 0 : index
    %swap3A_56 = vector.load %arg4[%swap3A_54, %swap3A_55] : memref<256x256xf32, #tpu.memory_space<vmem>>, vector<256x256xf32>
    tpu.vector_store %arg4[%swap3A_54, %swap3A_55], %select_n3A_53 {strides = array<i32>} : memref<256x256xf32, #tpu.memory_space<vmem>>, vector<256x256xf32>,
    %convert_element_type3A = arith.extui %gt3A_45 : vector<256x256xi1> to vector<256x256xi32>
    %convert_element_type3A_57 = arith.sitofp %convert_element_type3A : vector<256x256xi32> to vector<256x256xf32>
    %reduce_sum3A_58 = arith.constant dense<0.000000e+00> : vector<256xf32>
    %reduce_sum3A_59 = vector.multi_reduction <add>, %convert_element_type3A_57, %reduce_sum3A_58 [1] : vector<256x256xf32> to vector<256xf32>
    %broadcast_in_dim3A_60 = vector.shape_cast %reduce_sum3A_59 : vector<256xf32> to vector<256x1xf32>
    %convert_element_type3A_61 = arith.extui %le3A_47 : vector<256x256xi1> to vector<256x256xi32>
    %convert_element_type3A_62 = arith.sitofp %convert_element_type3A_61 : vector<256x256xi32> to vector<256x256xf32>
    %reduce_sum3A_63 = arith.constant dense<0.000000e+00> : vector<256xf32>
    %reduce_sum3A_64 = vector.multi_reduction <add>, %convert_element_type3A_62, %reduce_sum3A_63 [1] : vector<256x256xf32> to vector<256xf32>
    %broadcast_in_dim3A_65 = vector.shape_cast %reduce_sum3A_64 : vector<256xf32> to vector<256x1xf32>
    %mul3A_66 = arith.mulf %broadcast_in_dim3A_60, %broadcast_in_dim3A_65 : vector<256x1xf32>
    %reduce_sum3A_67 = vector.shape_cast %mul3A_66 : vector<256x1xf32> to vector<1x256x1xf32>
    %reduce_sum3A_68 = arith.constant dense<0.000000e+00> : vector<1xf32>
    %reduce_sum3A_69 = vector.multi_reduction <add>, %reduce_sum3A_67, %reduce_sum3A_68 [1, 2] : vector<1x256x1xf32> to vector<1xf32>
    %reduce_sum3A_70 = vector.shape_cast %reduce_sum3A_69 : vector<1xf32> to vector<1x1x1xf32>
    %reduce_sum3A_71 = vector.extract %reduce_sum3A_70[0, 0, 0] : f32 from vector<1x1x1xf32>
    %swap3A_72 = arith.constant 0 : index
    %swap3A_73 = arith.constant 0 : index
    %swap3A_74 = memref.load %arg5[%swap3A_72, %swap3A_73] : memref<1x1xf32, #tpu.memory_space<smem>>
    memref.store %reduce_sum3A_71, %arg5[%swap3A_72, %swap3A_73] : memref<1x1xf32, #tpu.memory_space<smem>>
    return
  }
}

module attributes {stable_mosaic.version = 14 : i64} {
  func.func @_finalize_body(%arg0: memref<32x16xf32, #tpu.memory_space<vmem>>, %arg1: memref<1x1xf32, #tpu.memory_space<smem>>, %arg2: memref<1x1xf32, #tpu.memory_space<smem>>) attributes {dimension_semantics = [], scalar_prefetch = 0 : i64, scratch_operands = 0 : i64, tpu.core_type = #tpu.core_type<tc>} {
    %get3A = arith.constant 0 : index
    %get3A_0 = arith.constant 0 : index
    %get3A_1 = vector.load %arg0[%get3A, %get3A_0] : memref<32x16xf32, #tpu.memory_space<vmem>>, vector<32x16xf32>
    %reduce_sum3A = vector.shape_cast %get3A_1 : vector<32x16xf32> to vector<1x32x16xf32>
    %reduce_sum3A_2 = arith.constant dense<0.000000e+00> : vector<1xf32>
    %reduce_sum3A_3 = vector.multi_reduction <add>, %reduce_sum3A, %reduce_sum3A_2 [1, 2] : vector<1x32x16xf32> to vector<1xf32>
    %reduce_sum3A_4 = vector.shape_cast %reduce_sum3A_3 : vector<1xf32> to vector<1x1x1xf32>
    %reduce_sum3A_5 = vector.extract %reduce_sum3A_4[0, 0, 0] : f32 from vector<1x1x1xf32>
    %get3A_6 = arith.constant 0 : index
    %get3A_7 = arith.constant 0 : index
    %get3A_8 = memref.load %arg1[%get3A_6, %get3A_7] : memref<1x1xf32, #tpu.memory_space<smem>>
    %eq3A = arith.constant 0.000000e+00 : f32
    %eq3A_9 = arith.cmpf oeq, %get3A_8, %eq3A : f32
    %max3A = arith.constant 1.000000e+00 : f32
    %max3A_10 = arith.maximumf %get3A_8, %max3A : f32
    %div3A = arith.divf %reduce_sum3A_5, %max3A_10 : f32
    %jit3A = arith.constant 0.000000e+00 : f32
    %select_n3A = arith.select %eq3A_9, %jit3A, %div3A : f32
    %swap3A = arith.constant 0 : index
    %swap3A_11 = arith.constant 0 : index
    %swap3A_12 = memref.load %arg2[%swap3A, %swap3A_11] : memref<1x1xf32, #tpu.memory_space<smem>>
    memref.store %select_n3A, %arg2[%swap3A, %swap3A_11] : memref<1x1xf32, #tpu.memory_space<smem>>
    return
  }
}

</mosaic_0001>

<sc_bundles>
// kernel: kernel.5.cloned.1.call-start
scs
__scs_entry_jumppad:
0x0: {  	(pc) =	sbr.rel $0x88, $3  }
0x1: {  	(tag) =	ssettag $0x0;
	lr =	simm.s32 $0x1  }
0x2: {  	[smem:$0x3F9E] =	sst lr;
	_ =	strace $0xD0000000  }
0x3: {  	_ = 	snop  }
0x4: {  	_ = 	snop  }
0x5: {  	_ = 	snop  }
0x6: {  	_ = 	snop  }
0x7: {  	_ = 	snop  }
__scs_overlays_trampoline_lowered:
0x8: {  	[smem:$0x3FAD] =	sst s0  }
0x9: {  	[smem:$0x3FAE] =	sst s1  }
0xa: {  	[smem:$0x3FAF] =	sst s2  }
0xb: {  	[smem:$0x3FB0] =	sst s3  }
0xc: {  	[smem:$0x3FB1] =	sst s4  }
0xd: {  	[smem:$0x3FB2] =	sst s5  }
0xe: {  	[smem:$0x3FB3] =	sst s6  }
0xf: {  	[smem:$0x3FB4] =	sst s7  }
0x10: {  	[smem:$0x3FB5] =	sst s8  }
0x11: {  	[smem:$0x3FB6] =	sst s9;
	s0 =	simm.s32 @!p0 $0x0  }
0x12: {  	s1 =	sld [smem:$0x3F9C];
	s0 =	simm.s32 @p0 $0x1  }
0x13: {  	[smem:$0x3FB7] =	sst s0;
	s0 =	simm.s32 @!p1 $0x0  }
0x14: {  	s2 =	sld [smem:$0x3F9B];
	s0 =	simm.s32 @p1 $0x1  }
0x15: {  	[smem:$0x3FB8] =	sst s0;
	s0 =	simm.s32 @!p2 $0x0  }
0x16: {  	s3 =	sld [smem:$0x3FDB];
	s0 =	simm.s32 @p2 $0x1  }
0x17: {  	s4 =	simm.s32 $0x1BF5;
	[smem:$0x3FBA] =	sst s0  }
0x18: {  	s0 =	sld [smem:$0x3F9D];
	_ =	swait.ge [sflag:s4], $0x0  }
0x19: {  	s7 =	sld [smem:$0x3F9E]  }
0x1a: {  	s8 =	sadd.s32 $0xFFFFE003, lr  }
0x1b: {  	s9 =	sadd.s32 $0xFFFFFEF7, lr;
	s5 =	simm.s32 $0xFFFFFFFF;
	p2 =	slt.u32 s8, $0xFFFFF086  }
0x1c: {  	p1 =	slt.u32 s9, $0xF7A;
	s5 =	simm.s32 @!p2 $0x0  }
0x1d: {  	s5 =	simm.s32 @p1 $0x1;
	p0 =	seq.s32 s7, s2  }
0x1e: {  	s7 =	smul.u32 @!p0 $0xF7A, s2;
	p2 =	seq.s32 @!p0 s5, $0x0  }
0x1f: {  	s9 =	smul.u32 $0xF7A, s1;
	s8 =	simm.s32 @!p0 $0x1BF5;
	p2 =	por !p2, p0  }
0x20: {  	[sflag:s8] =	ssyncset.s32 @!p0 $0xFFFFF086;
	s6 =	sadd.s32 @!p0 s3, s7;
	s7 =	simm.s32 @!p0 $0x108  }
0x21: {  	s3 =	sadd.s32 s3, s9;
	s6 =	sadd.s32 @!p0 $0x88, s6;
	s7 =	simm.s32 @p2 $0x1082  }
0x22: {  	[simem:s7], [sflag:s8] =	dma.local @!p0 [hbm:s6], $0xF7A  }
0x23: {  	s9 =	sor.u32 $0xD0000000, s2;
	s6 =	simm.s32 $0x108;
	_ =	swait.ge @!p0 [sflag:s8], $0x0  }
0x24: {  	s3 =	sadd.s32 $0x88, s3;
	s6 =	simm.s32 @!p1 $0x1082;
	[sflag:s4] =	ssyncset.s32 $0xFFFFF086  }
0x25: {  	[simem:s6], [sflag:s4] =	dma.local [hbm:s3], $0xF7A  }
0x26: {  	[smem:$0x3F9E] =	sst s1;
	(tag) =	ssettag s2;
	_ =	strace s9  }
0x27: {  	s1 =	sld [smem:$0x3FAE]  }
0x28: {  	s2 =	sld [smem:$0x3FAF]  }
0x29: {  	s4 =	sld [smem:$0x3FB1]  }
0x2a: {  	p0 =	seq.s32 s5, $0x0;
	s5 =	sld [smem:$0x3FB2]  }
0x2b: {  	s6 =	sld [smem:$0x3FB3]  }
0x2c: {  	s7 =	sld [smem:$0x3FB4]  }
0x2d: {  	s3 =	simm.s32 $0x108;
	s8 =	sld [smem:$0x3FB5]  }
0x2e: {  	s3 =	simm.s32 @!p0 $0x1082;
	s9 =	sld [smem:$0x3FB6]  }
0x2f: {  	lr =	sadd.s32 s0, s3;
	s0 =	sld [smem:$0x3FAD]  }
0x30: {  	s3 =	sld [smem:$0x3FB0]  }
0x31: {  	[smem:$0x3FB9] =	sst s10  }
0x32: {  	s10 =	sld [smem:$0x3FB7];
	_ =	sdelay $0x3  }
0x33: {  	p0 =	seq.s32 s10, $0x1;
	s10 =	sld [smem:$0x3FB9];
	_ =	sdelay $0x3  }
0x34: {  	[smem:$0x3FB9] =	sst s10  }
0x35: {  	s10 =	sld [smem:$0x3FB8];
	_ =	sdelay $0x3  }
0x36: {  	p1 =	seq.s32 s10, $0x1;
	s10 =	sld [smem:$0x3FB9];
	_ =	sdelay $0x3  }
0x37: {  	[smem:$0x3FB9] =	sst s10  }
0x38: {  	s10 =	sld [smem:$0x3FBA]  }
0x39: {  	_ = 	snop;
	(pc) =	sbr.ind lr, $3  }
0x3a: {  	_ = 	snop  }
0x3b: {  	_ = 	snop  }
0x3c: {  	p2 =	seq.s32 s10, $0x1;
	s10 =	sld [smem:$0x3FB9]  }
0x3d: {  	_ =	shalt  }
0x3e: {  	_ =	shalt  }
0x3f: {  	_ =	shalt  }
0x40: {  	_ =	shalt  }
0x41: {  	_ =	shalt  }
0x42: {  	_ =	shalt  }
0x43: {  	_ =	shalt  }
0x44: {  	_ =	shalt  }
0x45: {  	_ =	shalt  }
0x46: {  	_ =	shalt  }
0x47: {  	_ =	shalt  }
0x48: {  	_ =	shalt  }
0x49: {  	_ =	shalt  }
0x4a: {  	_ =	shalt  }
0x4b: {  	_ =	shalt  }
0x4c: {  	_ =	shalt  }
0x4d: {  	_ =	shalt  }
0x4e: {  	_ =	shalt  }
0x4f: {  	_ =	shalt  }
0x50: {  	_ =	shalt  }
0x51: {  	_ =	shalt  }
0x52: {  	_ =	shalt  }
0x53: {  	_ =	shalt  }
0x54: {  	_ =	shalt  }
0x55: {  	_ =	shalt  }
0x56: {  	_ =	shalt  }
0x57: {  	_ =	shalt  }
0x58: {  	_ =	shalt  }
0x59: {  	_ =	shalt  }
0x5a: {  	_ =	shalt  }
0x5b: {  	_ =	shalt  }
0x5c: {  	_ =	shalt  }
0x5d: {  	_ =	shalt  }
0x5e: {  	_ =	shalt  }
0x5f: {  	_ =	shalt  }
0x60: {  	_ =	shalt  }
0x61: {  	_ =	shalt  }
0x62: {  	_ =	shalt  }
0x63: {  	_ =	shalt  }
0x64: {  	_ =	shalt  }
0x65: {  	_ =	shalt  }
0x66: {  	_ =	shalt  }
0x67: {  	_ =	shalt  }
0x68: {  	_ =	shalt  }
0x69: {  	_ =	shalt  }
0x6a: {  	_ =	shalt  }
0x6b: {  	_ =	shalt  }
0x6c: {  	_ =	shalt  }
0x6d: {  	_ =	shalt  }
0x6e: {  	_ =	shalt  }
0x6f: {  	_ =	shalt  }
0x70: {  	_ =	shalt  }
0x71: {  	_ =	shalt  }
0x72: {  	_ =	shalt  }
0x73: {  	_ =	shalt  }
0x74: {  	_ =	shalt  }
0x75: {  	_ =	shalt  }
0x76: {  	_ =	shalt  }
0x77: {  	_ =	shalt  }
0x78: {  	_ =	shalt  }
0x79: {  	_ =	shalt  }
0x7a: {  	_ =	shalt  }
0x7b: {  	_ =	shalt  }
0x7c: {  	_ =	shalt  }
0x7d: {  	_ =	shalt  }
0x7e: {  	_ =	shalt  }
0x7f: {  	_ =	shalt  }
0x80: {  	_ =	shalt  }
0x81: {  	_ =	shalt  }
0x82: {  	_ =	shalt  }
0x83: {  	_ =	shalt  }
0x84: {  	_ =	shalt  }
0x85: {  	_ =	shalt  }
0x86: {  	_ =	shalt  }
0x87: {  	_ =	shalt  }
.Lfunc_end0:
.L_simem_size_0:
called_computation_lowered:
.L_overlay_start_0:
0x88: {  	s2 =	sld [smem:$0x3FD9]  }
0x89: {  	s3 =	sld [smem:$0x3FFE];
	_ =	sdelay $0x1  }
0x8a: {  	s1 =	srdreg.scid  }
0x8b: {  	s0 =	sand.u32 $0x1, s1  }
0x8c: {  	s16 =	sshll.u32 s0, $0xA;
	s2 =	sadd.s32 s3, s2  }
0x8d: {  	s2 =	sadd.s32 s2, s16  }
0x8e: {  	[smem:$0x3FC5] =	sst s2  }
0x8f: {  	_ = 	snop  }
0x90: {  	(tm) =	ssettm $0x1  }
0x91: {  	s17 =	sld [smem:$0x3FFB];
	_ =	sdelay $0x3  }
0x92: {  	_ =	strace s17  }
0x93: {  	s2 =	sld [smem:$0x3FFC];
	_ =	sdelay $0x3  }
0x94: {  	_ =	strace s2  }
0x95: {  	s2 =	sld [smem:$0x3FFD];
	_ =	sdelay $0x3  }
0x96: {  	_ =	strace s2  }
0x97: {  	_ =	strace $0x8FFFFFFF  }
0x98: {  	s18 =	sld [smem:$0x3FDB];
	_ =	sdelay $0x1  }
0x99: {  	s19 =	simm.s32 $_scs_section_size  }
0x9a: {  	s4 =	simm.s32 $_size__tile_overlayer_lowered;
	s5 =	simm.s32 $_tile_overlayer_lowered  }
0x9b: {  	s22 =	simm.s32 $0x1BFF;
	s21 =	sshll.u32 s5, $0x1;
	s2 =	sadd.s32 s19, s18  }
0x9c: {  	s6 =	simm.s32 $0x0;
	s20 =	sshll.u32 s4, $0x1;
	s4 =	sadd.s32 s21, s2  }
0x9d: {  	[timem:s6], [sflag:s22] =	dma.local [hbm:s4], s20  }
0x9e: {  	_ =	swait.ge [sflag:s22], s20  }
0x9f: {  	s3 =	ssub.s32 $0x0, s20;
	[sflag:s22] =	ssyncset.done $0x0  }
0xa0: {  	[sflag:s22] =	ssyncadd.s32 s3;
	_ =	sdelay $0x1  }
0xa1: {  	s23 =	simm.s32 $0x1B8B  }
0xa2: {  	_ =	swait.ge [sflag:s23], $0x1  }
0xa3: {  	[sflag:s23] =	ssyncset.done $0x0  }
0xa4: {  	s25 =	simm.s32 $0x1B8E;
	s24 =	sld [smem:$0x3FFE];
	[sflag:s23] =	ssyncadd.s32 $0xFFFFFFFF  }
0xa5: {  	s26 =	simm.s32 $execute0_lowered;
	[smem:$0x3FD2] =	sst s25  }
0xa6: {  	s4 =	sshll.u32 s26, $0x1;
	_ =	strace $0x80000046;
	[dreg:$0x1] =	wrdreg $0xFFFFFFFF  }
0xa7: {  	s28 =	simm.s32 $_size_execute0_lowered;
	s2 =	sadd.s32 s2, s4;
	[dreg:$0x0] =	wrdreg $0x0  }
0xa8: {  	s4 =	sshll.u32 s28, $0x1;
	[dreg:$0x2] =	wrdreg s2  }
0xa9: {  	[dreg:$0x3] =	wrdreg s4  }
0xaa: {  	[dreg:$0x4] =	wrdreg $0xC0  }
0xab: {  	_ =	task [dreg:s6], $0x5FFFF  }
0xac: {  	[dreg:$0x1] =	wrdreg $0xFFFFFFFF  }
0xad: {  	[dreg:$0x0] =	wrdreg $0x60  }
0xae: {  	[dreg:$0x2] =	wrdreg s24  }
0xaf: {  	[dreg:$0x3] =	wrdreg $0x9  }
0xb0: {  	_ =	task.clear_ibuf [dreg:s6], $0x4FFFF;
	_ =	strace $0x90000046  }
0xb1: {  	s29 =	simm.s32 $0x9;
	_ =	strace $0x80000048  }
0xb2: {  	_ =	swait.ge [sflag:s29], $0x1  }
0xb3: {  	[sflag:s29] =	ssyncadd.s32 $0xFFFFFFFF  }
0xb4: {  	_ =	strace $0x90000048  }
0xb5: {  	_ =	sfence  }
0xb6: {  	s30 =	sld [smem:$0x0];
	_ =	sdelay $0x2  }
0xb7: {  	s31 =	sshll.u32 s1, $0xD;
	s1 =	sshrl.u32 s1, $0x2  }
0xb8: {  	s3 =	sand.u32 $0x4000, s31;
	s1 =	sadd.s32 s1, s30  }
0xb9: {  	s0 =	sor.u32 s3, s0;
	s1 =	sshll.u32 s1, $0x11  }
0xba: {  	s0 =	sor.u32 s1, s0  }
0xbb: {  	s0 =	sadd.s32 $0x8F2B, s0  }
0xbc: {  	[sflag:s0] =	ssyncadd.remote.s32 $0x1  }
0xbd: {  	_ =	sfence.sel $0xFFFF  }
0xbe: {  	[dreg:$0x0] =	wrdreg $0xFFFFFFFF;
	(pc) =	sbr.abs _section_cstart, $3  }
0xbf: {  	[dreg:$0x1] =	wrdreg $0xFFFFFFFF  }
0xc0: {  	_ =	task.clear_ibuf [dreg:s6], $0x2FFFF;
	_ =	strace $0x9FFFFFFF  }
0xc1: {  	(tm) =	ssettm $0x7FFFFFFF  }
tec
execute0_lowered:
.L_overlay_start_1:
0x0: {  	(tag) =	ssettag $0x1  }
0x1: {  	s3 =	rddreg [dreg:$0x0]  }
0x2: {  	s0 =	rddreg [dreg:$0x1]  }
0x3: {  	s2 =	simm.s32 $0x0;
	s4 =	srdreg.scid;
	s1 =	stileid.u32  }
0x4: {  	s8 =	simm.s32 $0x800;
	s9 =	simm.s32 $0x1000;
	s10 =	simm.s32 $0x0  }
0x5: {  	[smem:$0x7FF] =	sst s2;
	s4 =	sand.u32 $0x1, s4;
	s5 =	sshll.u32 s1, $0x1  }
0x6: {  	s14 =	simm.s32 $0x0;
	_ =	strace $0x80000047;
	s5 =	sor.u32 s4, s5  }
0x7: {  	s4 =	ssub.s32 $0x2, s4;
	s6 =	sshll.u32 s5, $0x8;
	s5 =	sshll.u32 s5, $0x1  }
0x8: {  	s31 =	sshrl.u32 s4, $0x1;
	s6 =	sadd.s32 s6, s3;
	s5 =	sadd.s32 s5, s3  }
0x9: {  	s7 =	ssub.s32 s4, s31;
	s3 =	sadd.s32 $0xC00, s6;
	s4 =	sadd.s32 $0x2C00, s6  }
0xa: {  	s5 =	sadd.s32 $0x4C00, s5;
	s6 =	smax.u32 s7, $0x1;
	s7 =	simm.s32 $0x1  }
.LBB2_1:
0xb: {  	[tilespmem:s2], [sflag:$0x1] =	stream.linear.gather [hbm4b:s3+s2], $0x800, $0x38;
	[tilespmem:$0x1080] =	vst v63  }
0xc: {  	_ =	swait.ge [sflag:s7], $0x800  }
0xd: {  	[sflag:s7] =	ssyncset.done $0x0  }
0xe: {  	[sflag:s7] =	ssyncadd.s32 $0xFFFFF800  }
0xf: {  	[tilespmem:s8], [sflag:$0x1] =	stream.linear.gather [hbm4b:s4+s2], $0x800, $0x38;
	[tilespmem:$0x1080] =	vst v63  }
0x10: {  	_ =	swait.ge [sflag:s7], $0x800  }
0x11: {  	[sflag:s7] =	ssyncset.done $0x0  }
0x12: {  	v0 =	vimm.f32 $0.0e+00;
	s11 =	simm.s32 $0x0;
	[sflag:s7] =	ssyncadd.s32 $0xFFFFF800  }
.LBB2_2:
0x13: {  	s12 =	sshll.u32 s11, $0x8  }
0x14: {  	v1 =	vimm.f32 $0.0e+00;
	s15 =	simm.s32 $0x0;
	s13 =	sadd.s32 $0x800, s12  }
.LBB2_3:
0x15: {  	s16 =	sshll.u32 s15, $0x1  }
0x16: {  	s17 =	sand.u32 $0x80, s16  }
0x17: {  	s16 =	sand.u32 $0x7E, s16;
	s17 =	sadd.s32 s17, s12  }
0x18: {  	s16 =	sadd.s32 s16, s17  }
0x19: {  	v3 =	vld [tilespmem:s16+$0x0]  }
0x1a: {  	s30 =	sand.u32 $0x80, s14  }
0x1b: {  	s31 =	sand.u32 $0x70, s14;
	s16 =	sadd.s32 s30, s13  }
0x1c: {  	s17 =	sadd.s32 s31, s16  }
0x1d: {  	v4 =	vld [tilespmem:s17+$0x0]  }
0x1e: {  	s16 =	simm.s32 $0x10;
	v2 =	vbroadcast v3, $0x0;
	v3 =	vbroadcast v3, $0x1  }
.LBB2_4:
0x1f: {  	s17 =	sand.u32 $0x80, s16  }
0x20: {  	p0 =	sne.s32 s16, $0xF0;
	s18 =	smov.u32 s16;
	s16 =	sadd.s32 $0x10, s16  }
.Ltmp0:
0x21: {  	s18 =	sand.u32 $0x70, s18;
	s17 =	sadd.s32 s17, s13;
	(pc) =	sbr.rel @p0 .LBB2_4-.Ltmp0, $4  }
0x22: {  	s17 =	sadd.s32 s18, s17;
	v5 =	vsub.f32 v2, v4;
	v6 =	vsub.f32 v3, v4  }
0x23: {  	v4 =	vld [tilespmem:s17+$0x0]  }
0x24: {  	v5 =	vmax.f32 v5, $0.0e+00;
	v6 =	vmax.f32 v6, $0.0e+00  }
0x25: {  	v0 =	vadd.f32 v5, v0;
	v1 =	vadd.f32 v6, v1  }
0x26: {  	s15 =	sadd.s32 $0x1, s15  }
0x27: {  	p0 =	sne.s32 s15, $0x80  }
.Ltmp1:
0x28: {  	_ = 	snop;
	(pc) =	sbr.rel @p0 .LBB2_3-.Ltmp1, $3  }
0x29: {  	v2 =	vsub.f32 v2, v4;
	v3 =	vsub.f32 v3, v4;
	_ =	sdelay $0x1  }
0x2a: {  	v2 =	vmax.f32 v2, $0.0e+00;
	v3 =	vmax.f32 v3, $0.0e+00  }
0x2b: {  	v0 =	vadd.f32 v2, v0;
	v1 =	vadd.f32 v3, v1  }
0x2c: {  	s11 =	sadd.s32 $0x1, s11  }
0x2d: {  	p0 =	sne.s32 s11, $0x8  }
.Ltmp2:
0x2e: {  	_ = 	snop;
	(pc) =	sbr.rel @p0 .LBB2_2-.Ltmp2, $2  }
0x2f: {  	_ =	sdelay $0x2  }
0x30: {  	v0 =	vadd.f32 v1, v0  }
0x31: {  	s10 =	sadd.s32 $0x1, s10  }
0x32: {  	p0 =	sne.s32 s10, s6  }
.Ltmp3:
0x33: {  	[tilespmem:$0x1000] =	vst v0;
	(pc) =	sbr.rel @p0 .LBB2_1-.Ltmp3, $4  }
0x34: {  	[hbm4b:s5+s2] =	stream.linear.scatter [tilespmem:s9], [sflag:$0x1], $0x10, $0x38;
	[tilespmem:$0x1080] =	vst v63  }
0x35: {  	_ =	swait.ge [sflag:s7], $0x10  }
0x36: {  	[sflag:s7] =	ssyncset.done $0x0  }
0x37: {  	[sflag:s7] =	ssyncadd.s32 $0xFFFFFFF0  }
0x38: {  	_ =	sfence.sel $0x180000  }
0x39: {  	[bflag:$0x0] =	sbarrier.arrive $0xFFFF  }
0x3a: {  	p0 =	sne.s32 s1, $0x0;
	_ =	strace $0x90000047  }
0x3b: {  	s0 =	sadd.s32 @!p0 $0x100000, s0;
	[bflag:$0x2] =	sbarrier.arrive $0xFFFF  }
0x3c: {  	[sflag:s0] =	ssyncadd.tile.s32 @!p0 $0x1;
	_ =	shalt  }
.Lfunc_end2:
_tile_overlayer_lowered:
.L_overlay_start_2:
0x3d: {  	(tag) =	ssettag $0x2  }
0x3e: {  	s0 =	rddreg [dreg:$0x0];
	s2 =	stileid.u32  }
0x3f: {  	s1 =	rddreg [dreg:$0x1];
	p0 =	sne.s32 s2, $0x0  }
0x40: {  	s3 =	rddreg [dreg:$0x2];
	[bflag:$0x3] =	sbarrier.arrive $0xFFFF;
	s2 =	simm.s32 @!p0 $0x1C01  }
0x41: {  	[timem:s3], [sflag:s2] =	dma.local @!p0 [hbm:s0], s1  }
0x42: {  	s0 =	simm.s32 @!p0 $0x1  }
0x43: {  	_ =	swait.ge @!p0 [sflag:s0], s1  }
0x44: {  	s1 =	ssub.s32 @!p0 $0x0, s1;
	[sflag:s0] =	ssyncset.done @!p0 $0x0  }
0x45: {  	[sflag:s0] =	ssyncadd.s32 @!p0 s1  }
0x46: {  	[bflag:$0x3] =	sbarrier.arrive $0xFFFF  }
0x47: {  	_ =	shalt  }

</sc_bundles>
